<compile_context>
chip_gen: v7x
topology: tpu7x:2x2x1
jax: 0.10.2.dev20260603
libtpu: 0.0.44.dev20260713+nightly
codegen_flags: <defaults>
</compile_context>

<pallas_src>
import functools

import jax
import jax.numpy as jnp
from jax import lax
from jax.experimental import pallas as pl
from jax.experimental.pallas import tpu as pltpu
from jax.experimental.pallas import tpu_sc as plsc

_L = 16
_NC = 2
_NS = 16
_NW = _NC * _NS

_ROWS = 64
_COLS = 32768
_RB = 8
_NRB = _ROWS // _RB
_WPR = _NW // _NRB
_WCOLS = _COLS // _WPR
_CHUNK = 1024
_NCHUNK = _WCOLS // _CHUNK
_NPAIR = _NCHUNK // 2

_mesh = plsc.VectorSubcoreMesh(core_axis_name="c", subcore_axis_name="s")


@functools.partial(
    pl.kernel,
    mesh=_mesh,
    out_type=jax.ShapeDtypeStruct((_ROWS, _COLS), jnp.float32),
    scratch_types=(
        [pltpu.VMEM((_RB, _CHUNK), jnp.float32)] * 8
        + [pltpu.SemaphoreType.DMA] * 4
    ),
)
def _median_sc(a_hbm, b_hbm, c_hbm, out_hbm,
               av0, av1, bv0, bv1, cv0, cv1, ov0, ov1,
               si0, si1, so0, so1):
    wid = lax.axis_index("s") * _NC + lax.axis_index("c")
    r0 = (wid // _WPR) * _RB
    c0 = (wid % _WPR) * _WCOLS

    ins = [(av0, bv0, cv0, si0), (av1, bv1, cv1, si1)]
    outs = [(ov0, so0), (ov1, so1)]

    def hbm_slice(ref, ci):
        return ref.at[pl.ds(r0, _RB), pl.ds(c0 + ci * _CHUNK, _CHUNK)]

    def start_in(ci, p):
        av, bv, cv, si = ins[p]
        pltpu.async_copy(hbm_slice(a_hbm, ci), av, si)
        pltpu.async_copy(hbm_slice(b_hbm, ci), bv, si)
        pltpu.async_copy(hbm_slice(c_hbm, ci), cv, si)

    def wait_in(p):
        av, bv, cv, si = ins[p]
        pltpu.make_async_copy(hbm_slice(a_hbm, 0), av, si).wait()
        pltpu.make_async_copy(hbm_slice(b_hbm, 0), bv, si).wait()
        pltpu.make_async_copy(hbm_slice(c_hbm, 0), cv, si).wait()

    def wait_out(p):
        ov, so = outs[p]
        pltpu.make_async_copy(ov, hbm_slice(out_hbm, 0), so).wait()

    def compute(p, ci):
        av, bv, cv, _ = ins[p]
        ov, so = outs[p]

        @plsc.parallel_loop(0, _RB, 1)
        def row_body(r):
            @plsc.parallel_loop(0, _CHUNK, _L, unroll=8)
            def vec_body(s):
                x = av[r, pl.ds(s, _L)]
                y = bv[r, pl.ds(s, _L)]
                z = cv[r, pl.ds(s, _L)]
                lo = jnp.minimum(x, y)
                hi = jnp.maximum(x, y)
                ov[r, pl.ds(s, _L)] = jnp.maximum(lo, jnp.minimum(hi, z))

        pltpu.async_copy(ov, hbm_slice(out_hbm, ci), so)

    start_in(0, 0)
    start_in(1, 1)

    def pair_body(k, carry):
        even = 2 * k
        wait_in(0)
        lax.cond(k > 0, lambda: wait_out(0), lambda: None)
        compute(0, even)
        lax.cond(k < _NPAIR - 1, lambda: start_in(even + 2, 0), lambda: None)
        wait_in(1)
        lax.cond(k > 0, lambda: wait_out(1), lambda: None)
        compute(1, even + 1)
        lax.cond(k < _NPAIR - 1, lambda: start_in(even + 3, 1), lambda: None)
        return carry

    lax.fori_loop(0, _NPAIR, pair_body, 0)
    wait_out(0)
    wait_out(1)


def kernel(a, b, c):
    return _median_sc(a, b, c)

# --- scband reference (transcript-rebuilt; emitter-appended) ---
"""Pipeline reference for scband-median-voter-layer-44186623541859 (READ-ONLY COPY).

The authoritative reference and input builder live on the scoring server;
editing this copy changes nothing except your own understanding.
"""

import jax, jax.numpy as jnp
import numpy as np


def setup_inputs(seed: int = 0) -> dict:
    key = jax.random.key(seed)
    k1, k2, k3 = jax.random.split(key, 3)
    a = jax.random.normal(k1, (64, 32768), dtype=jnp.float32)
    b = jax.random.normal(k2, (64, 32768), dtype=jnp.float32)
    c = jax.random.normal(k3, (64, 32768), dtype=jnp.float32)
    return {"a": a, "b": b, "c": c}


def reference(a, b, c):
    # tf.stack(inputs, axis=-1) -> [B, N, 3]
    stacked = jnp.stack([a, b, c], axis=-1)
    # tf.math.top_k(stacked, k=2).values -> [B, N, 2] (descending)
    vals, _ = jax.lax.top_k(stacked, 2)
    # sorted_vals[..., 1] -> second-largest == median of 3 voters
    return vals[..., 1]

if __name__ == "__main__":
    import jax
    _d = setup_inputs()
    print(jax.jit(kernel)(*tuple(_d.values())))

</pallas_src>

<mosaic_0001>
#map = affine_map<(d0, d1) -> (0, 0)>
module attributes {stable_mosaic.version = 14 : i64} {
  func.func @_median_sc(%arg0: i32, %arg1: i32, %arg2: memref<64x32768xf32, #tpu.memory_space<hbm>>, %arg3: memref<64x32768xf32, #tpu.memory_space<hbm>>, %arg4: memref<64x32768xf32, #tpu.memory_space<hbm>>, %arg5: memref<64x32768xf32, #tpu.memory_space<hbm>>, %arg6: memref<8x1024xf32, #tpu.memory_space<vmem>>, %arg7: memref<8x1024xf32, #tpu.memory_space<vmem>>, %arg8: memref<8x1024xf32, #tpu.memory_space<vmem>>, %arg9: memref<8x1024xf32, #tpu.memory_space<vmem>>, %arg10: memref<8x1024xf32, #tpu.memory_space<vmem>>, %arg11: memref<8x1024xf32, #tpu.memory_space<vmem>>, %arg12: memref<8x1024xf32, #tpu.memory_space<vmem>>, %arg13: memref<8x1024xf32, #tpu.memory_space<vmem>>, %arg14: memref<!tpu.dma_semaphore, #tpu.memory_space<semaphore_mem>>, %arg15: memref<!tpu.dma_semaphore, #tpu.memory_space<semaphore_mem>>, %arg16: memref<!tpu.dma_semaphore, #tpu.memory_space<semaphore_mem>>, %arg17: memref<!tpu.dma_semaphore, #tpu.memory_space<semaphore_mem>>) attributes {dimension_semantics = [#tpu.dimension_semantics<core_parallel>, #tpu.dimension_semantics<subcore_parallel>], iteration_bounds = array<i64: 2, 16>, scalar_prefetch = 0 : i64, scratch_operands = 12 : i64, tpu.core_type = #tpu.core_type<sc_vector_subcore>, window_params = [{transform_indices = #map}, {transform_indices = #map}, {transform_indices = #map}, {transform_indices = #map}]} {
    %mul3A = arith.constant 2 : i32
    %mul3A_0 = arith.muli %arg1, %mul3A : i32
    %add3A = arith.addi %mul3A_0, %arg0 : i32
    %jit3A = arith.constant 4 : i32
    %div3A = arith.divsi %add3A, %jit3A : i32
    %sign3A = arith.constant 0 : i32
    %sign3A_1 = arith.cmpi sgt, %add3A, %sign3A : i32
    %sign3A_2 = arith.extui %sign3A_1 : i1 to i32
    %sign3A_3 = arith.constant 0 : i32
    %sign3A_4 = arith.cmpi slt, %add3A, %sign3A_3 : i32
    %sign3A_5 = arith.extui %sign3A_4 : i1 to i32
    %sign3A_6 = arith.subi %sign3A_2, %sign3A_5 : i32
    %sign3A_7 = arith.constant 0 : i32
    %sign3A_8 = arith.cmpi sgt, %jit3A, %sign3A_7 : i32
    %sign3A_9 = arith.extui %sign3A_8 : i1 to i32
    %sign3A_10 = arith.constant 0 : i32
    %sign3A_11 = arith.cmpi slt, %jit3A, %sign3A_10 : i32
    %sign3A_12 = arith.extui %sign3A_11 : i1 to i32
    %sign3A_13 = arith.subi %sign3A_9, %sign3A_12 : i32
    %ne3A = arith.cmpi ne, %sign3A_6, %sign3A_13 : i32
    %rem3A = arith.remsi %add3A, %jit3A : i32
    %ne3A_14 = arith.constant 0 : i32
    %ne3A_15 = arith.cmpi ne, %rem3A, %ne3A_14 : i32
    %and3A = arith.andi %ne3A, %ne3A_15 : i1
    %sub3A = arith.constant 1 : i32
    %sub3A_16 = arith.subi %div3A, %sub3A : i32
    %select_n3A = arith.select %and3A, %sub3A_16, %div3A : i32
    %mul3A_17 = arith.constant 8 : i32
    %mul3A_18 = arith.muli %select_n3A, %mul3A_17 : i32
    %jit3A_19 = arith.constant 4 : i32
    %eq3A = arith.constant 0 : i32
    %eq3A_20 = arith.cmpi eq, %jit3A_19, %eq3A : i32
    %jit3A_21 = arith.constant 1 : i32
    %select_n3A_22 = arith.select %eq3A_20, %jit3A_21, %jit3A_19 : i32
    %rem3A_23 = arith.remsi %add3A, %select_n3A_22 : i32
    %ne3A_24 = arith.constant 0 : i32
    %ne3A_25 = arith.cmpi ne, %rem3A_23, %ne3A_24 : i32
    %lt3A = arith.constant 0 : i32
    %lt3A_26 = arith.cmpi slt, %rem3A_23, %lt3A : i32
    %lt3A_27 = arith.constant 0 : i32
    %lt3A_28 = arith.cmpi slt, %select_n3A_22, %lt3A_27 : i32
    %ne3A_29 = arith.xori %lt3A_26, %lt3A_28 : i1
    %and3A_30 = arith.andi %ne3A_29, %ne3A_25 : i1
    %add3A_31 = arith.addi %rem3A_23, %select_n3A_22 : i32
    %select_n3A_32 = arith.select %and3A_30, %add3A_31, %rem3A_23 : i32
    %mul3A_33 = arith.constant 8192 : i32
    %mul3A_34 = arith.muli %select_n3A_32, %mul3A_33 : i32
    %add3A_35 = arith.constant 0 : i32
    %add3A_36 = arith.addi %mul3A_34, %add3A_35 : i32
    %dma_start3A = tpu.memref_slice %arg2[%mul3A_18, %add3A_36] : memref<64x32768xf32, #tpu.memory_space<hbm>> -> memref<8x1024xf32, #tpu.memory_space<hbm>>
    %dma_start3A_37 = tpu.memref_slice %arg2[%mul3A_18, %add3A_36] : memref<64x32768xf32, #tpu.memory_space<hbm>> -> memref<8x1024xf32, #tpu.memory_space<hbm>>
    tpu.enqueue_dma source(%dma_start3A_37 : memref<8x1024xf32, #tpu.memory_space<hbm>>) target(%arg6 : memref<8x1024xf32, #tpu.memory_space<vmem>>) target_semaphore(%arg14 : memref<!tpu.dma_semaphore, #tpu.memory_space<semaphore_mem>>)
    %add3A_38 = arith.constant 0 : i32
    %add3A_39 = arith.addi %mul3A_34, %add3A_38 : i32
    %dma_start3A_40 = tpu.memref_slice %arg3[%mul3A_18, %add3A_39] : memref<64x32768xf32, #tpu.memory_space<hbm>> -> memref<8x1024xf32, #tpu.memory_space<hbm>>
    %dma_start3A_41 = tpu.memref_slice %arg3[%mul3A_18, %add3A_39] : memref<64x32768xf32, #tpu.memory_space<hbm>> -> memref<8x1024xf32, #tpu.memory_space<hbm>>
    tpu.enqueue_dma source(%dma_start3A_41 : memref<8x1024xf32, #tpu.memory_space<hbm>>) target(%arg8 : memref<8x1024xf32, #tpu.memory_space<vmem>>) target_semaphore(%arg14 : memref<!tpu.dma_semaphore, #tpu.memory_space<semaphore_mem>>)
    %add3A_42 = arith.constant 0 : i32
    %add3A_43 = arith.addi %mul3A_34, %add3A_42 : i32
    %dma_start3A_44 = tpu.memref_slice %arg4[%mul3A_18, %add3A_43] : memref<64x32768xf32, #tpu.memory_space<hbm>> -> memref<8x1024xf32, #tpu.memory_space<hbm>>
    %dma_start3A_45 = tpu.memref_slice %arg4[%mul3A_18, %add3A_43] : memref<64x32768xf32, #tpu.memory_space<hbm>> -> memref<8x1024xf32, #tpu.memory_space<hbm>>
    tpu.enqueue_dma source(%dma_start3A_45 : memref<8x1024xf32, #tpu.memory_space<hbm>>) target(%arg10 : memref<8x1024xf32, #tpu.memory_space<vmem>>) target_semaphore(%arg14 : memref<!tpu.dma_semaphore, #tpu.memory_space<semaphore_mem>>)
    %add3A_46 = arith.constant 1024 : i32
    %add3A_47 = arith.addi %mul3A_34, %add3A_46 : i32
    %dma_start3A_48 = tpu.memref_slice %arg2[%mul3A_18, %add3A_47] : memref<64x32768xf32, #tpu.memory_space<hbm>> -> memref<8x1024xf32, #tpu.memory_space<hbm>>
    %dma_start3A_49 = tpu.memref_slice %arg2[%mul3A_18, %add3A_47] : memref<64x32768xf32, #tpu.memory_space<hbm>> -> memref<8x1024xf32, #tpu.memory_space<hbm>>
    tpu.enqueue_dma source(%dma_start3A_49 : memref<8x1024xf32, #tpu.memory_space<hbm>>) target(%arg7 : memref<8x1024xf32, #tpu.memory_space<vmem>>) target_semaphore(%arg15 : memref<!tpu.dma_semaphore, #tpu.memory_space<semaphore_mem>>)
    %add3A_50 = arith.constant 1024 : i32
    %add3A_51 = arith.addi %mul3A_34, %add3A_50 : i32
    %dma_start3A_52 = tpu.memref_slice %arg3[%mul3A_18, %add3A_51] : memref<64x32768xf32, #tpu.memory_space<hbm>> -> memref<8x1024xf32, #tpu.memory_space<hbm>>
    %dma_start3A_53 = tpu.memref_slice %arg3[%mul3A_18, %add3A_51] : memref<64x32768xf32, #tpu.memory_space<hbm>> -> memref<8x1024xf32, #tpu.memory_space<hbm>>
    tpu.enqueue_dma source(%dma_start3A_53 : memref<8x1024xf32, #tpu.memory_space<hbm>>) target(%arg9 : memref<8x1024xf32, #tpu.memory_space<vmem>>) target_semaphore(%arg15 : memref<!tpu.dma_semaphore, #tpu.memory_space<semaphore_mem>>)
    %add3A_54 = arith.constant 1024 : i32
    %add3A_55 = arith.addi %mul3A_34, %add3A_54 : i32
    %dma_start3A_56 = tpu.memref_slice %arg4[%mul3A_18, %add3A_55] : memref<64x32768xf32, #tpu.memory_space<hbm>> -> memref<8x1024xf32, #tpu.memory_space<hbm>>
    %dma_start3A_57 = tpu.memref_slice %arg4[%mul3A_18, %add3A_55] : memref<64x32768xf32, #tpu.memory_space<hbm>> -> memref<8x1024xf32, #tpu.memory_space<hbm>>
    tpu.enqueue_dma source(%dma_start3A_57 : memref<8x1024xf32, #tpu.memory_space<hbm>>) target(%arg11 : memref<8x1024xf32, #tpu.memory_space<vmem>>) target_semaphore(%arg15 : memref<!tpu.dma_semaphore, #tpu.memory_space<semaphore_mem>>)
    %scan3A = arith.constant 0 : i32
    %scan3A_58 = arith.constant 0 : i32
    %scan3A_59 = arith.constant 4 : i32
    %scan3A_60 = arith.addi %scan3A_58, %scan3A_59 : i32
    %scan3A_61 = arith.constant 1 : i32
    scf.for %scan3A_70 = %scan3A_58 to %scan3A_60 step %scan3A_61  : i32 {
      %mul3A_71 = arith.constant 2 : i32
      %mul3A_72 = arith.muli %mul3A_71, %scan3A_70 : i32
      %add3A_73 = arith.constant 0 : i32
      %add3A_74 = arith.addi %mul3A_34, %add3A_73 : i32
      %dma_wait3A_75 = tpu.memref_slice %arg2[%mul3A_18, %add3A_74] : memref<64x32768xf32, #tpu.memory_space<hbm>> -> memref<8x1024xf32, #tpu.memory_space<hbm>>
      %dma_wait3A_76 = tpu.memref_slice %arg2[%mul3A_18, %add3A_74] : memref<64x32768xf32, #tpu.memory_space<hbm>> -> memref<8x1024xf32, #tpu.memory_space<hbm>>
      tpu.wait_dma2 semaphore(%arg14 : memref<!tpu.dma_semaphore, #tpu.memory_space<semaphore_mem>>) src(%dma_wait3A_76 : memref<8x1024xf32, #tpu.memory_space<hbm>>) dst(%arg6 : memref<8x1024xf32, #tpu.memory_space<vmem>>)
      %add3A_77 = arith.constant 0 : i32
      %add3A_78 = arith.addi %mul3A_34, %add3A_77 : i32
      %dma_wait3A_79 = tpu.memref_slice %arg3[%mul3A_18, %add3A_78] : memref<64x32768xf32, #tpu.memory_space<hbm>> -> memref<8x1024xf32, #tpu.memory_space<hbm>>
      %dma_wait3A_80 = tpu.memref_slice %arg3[%mul3A_18, %add3A_78] : memref<64x32768xf32, #tpu.memory_space<hbm>> -> memref<8x1024xf32, #tpu.memory_space<hbm>>
      tpu.wait_dma2 semaphore(%arg14 : memref<!tpu.dma_semaphore, #tpu.memory_space<semaphore_mem>>) src(%dma_wait3A_80 : memref<8x1024xf32, #tpu.memory_space<hbm>>) dst(%arg8 : memref<8x1024xf32, #tpu.memory_space<vmem>>)
      %add3A_81 = arith.constant 0 : i32
      %add3A_82 = arith.addi %mul3A_34, %add3A_81 : i32
      %dma_wait3A_83 = tpu.memref_slice %arg4[%mul3A_18, %add3A_82] : memref<64x32768xf32, #tpu.memory_space<hbm>> -> memref<8x1024xf32, #tpu.memory_space<hbm>>
      %dma_wait3A_84 = tpu.memref_slice %arg4[%mul3A_18, %add3A_82] : memref<64x32768xf32, #tpu.memory_space<hbm>> -> memref<8x1024xf32, #tpu.memory_space<hbm>>
      tpu.wait_dma2 semaphore(%arg14 : memref<!tpu.dma_semaphore, #tpu.memory_space<semaphore_mem>>) src(%dma_wait3A_84 : memref<8x1024xf32, #tpu.memory_space<hbm>>) dst(%arg10 : memref<8x1024xf32, #tpu.memory_space<vmem>>)
      %gt3A = arith.constant 0 : i32
      %gt3A_85 = arith.cmpi sgt, %scan3A_70, %gt3A : i32
      %convert_element_type3A = arith.extui %gt3A_85 : i1 to i32
      %cond3A = arith.constant 0 : i32
      %cond3A_86 = arith.cmpi ne, %convert_element_type3A, %cond3A : i32
      scf.if %cond3A_86 {
        %add3A_131 = arith.constant 0 : i32
        %add3A_132 = arith.addi %mul3A_34, %add3A_131 : i32
        %dma_wait3A_133 = tpu.memref_slice %arg5[%mul3A_18, %add3A_132] : memref<64x32768xf32, #tpu.memory_space<hbm>> -> memref<8x1024xf32, #tpu.memory_space<hbm>>
        %dma_wait3A_134 = tpu.memref_slice %arg5[%mul3A_18, %add3A_132] : memref<64x32768xf32, #tpu.memory_space<hbm>> -> memref<8x1024xf32, #tpu.memory_space<hbm>>
        tpu.wait_dma2 semaphore(%arg16 : memref<!tpu.dma_semaphore, #tpu.memory_space<semaphore_mem>>) src(%arg12 : memref<8x1024xf32, #tpu.memory_space<vmem>>) dst(%dma_wait3A_134 : memref<8x1024xf32, #tpu.memory_space<hbm>>)
      } else {
      }
      %parallel_loop3A = arith.constant 0 : i32
      %parallel_loop3A_87 = arith.constant 8 : i32
      %parallel_loop3A_88 = arith.constant 1 : i32
      scf.for %parallel_loop3A_131 = %parallel_loop3A to %parallel_loop3A_87 step %parallel_loop3A_88  : i32 {
        %parallel_loop3A_132 = arith.constant 0 : i32
        %parallel_loop3A_133 = arith.constant 1024 : i32
        %parallel_loop3A_134 = arith.constant 16 : i32
        scf.for %parallel_loop3A_135 = %parallel_loop3A_132 to %parallel_loop3A_133 step %parallel_loop3A_134  : i32 {
          %parallel_loop3A_136 = arith.index_cast %parallel_loop3A_131 : i32 to index
          %parallel_loop3A_137 = arith.index_cast %parallel_loop3A_135 : i32 to index
          %parallel_loop3A_138 = tpu.vector_load %arg6[%parallel_loop3A_136, %parallel_loop3A_137] {strides = array<i32>} : memref<8x1024xf32, #tpu.memory_space<vmem>>, vector<1x16xf32>,
          %parallel_loop3A_139 = vector.shape_cast %parallel_loop3A_138 : vector<1x16xf32> to vector<16xf32>
          %parallel_loop3A_140 = arith.index_cast %parallel_loop3A_131 : i32 to index
          %parallel_loop3A_141 = arith.index_cast %parallel_loop3A_135 : i32 to index
          %parallel_loop3A_142 = tpu.vector_load %arg8[%parallel_loop3A_140, %parallel_loop3A_141] {strides = array<i32>} : memref<8x1024xf32, #tpu.memory_space<vmem>>, vector<1x16xf32>,
          %parallel_loop3A_143 = vector.shape_cast %parallel_loop3A_142 : vector<1x16xf32> to vector<16xf32>
          %parallel_loop3A_144 = arith.index_cast %parallel_loop3A_131 : i32 to index
          %parallel_loop3A_145 = arith.index_cast %parallel_loop3A_135 : i32 to index
          %parallel_loop3A_146 = tpu.vector_load %arg10[%parallel_loop3A_144, %parallel_loop3A_145] {strides = array<i32>} : memref<8x1024xf32, #tpu.memory_space<vmem>>, vector<1x16xf32>,
          %parallel_loop3A_147 = vector.shape_cast %parallel_loop3A_146 : vector<1x16xf32> to vector<16xf32>
          %parallel_loop3A_148 = arith.minimumf %parallel_loop3A_139, %parallel_loop3A_143 : vector<16xf32>
          %parallel_loop3A_149 = arith.maximumf %parallel_loop3A_139, %parallel_loop3A_143 : vector<16xf32>
          %parallel_loop3A_150 = arith.minimumf %parallel_loop3A_149, %parallel_loop3A_147 : vector<16xf32>
          %parallel_loop3A_151 = arith.maximumf %parallel_loop3A_148, %parallel_loop3A_150 : vector<16xf32>
          %parallel_loop3A_152 = arith.index_cast %parallel_loop3A_131 : i32 to index
          %parallel_loop3A_153 = arith.index_cast %parallel_loop3A_135 : i32 to index
          %parallel_loop3A_154 = tpu.vector_load %arg12[%parallel_loop3A_152, %parallel_loop3A_153] {strides = array<i32>} : memref<8x1024xf32, #tpu.memory_space<vmem>>, vector<1x16xf32>,
          %parallel_loop3A_155 = vector.shape_cast %parallel_loop3A_154 : vector<1x16xf32> to vector<16xf32>
          %parallel_loop3A_156 = vector.shape_cast %parallel_loop3A_151 : vector<16xf32> to vector<1x16xf32>
          tpu.vector_store %arg12[%parallel_loop3A_152, %parallel_loop3A_153], %parallel_loop3A_156 {strides = array<i32>} : memref<8x1024xf32, #tpu.memory_space<vmem>>, vector<1x16xf32>,
        } {sc.loop_unroll_factor = 8 : i64, sc.parallel_access}
      } {sc.loop_unroll_factor = 1 : i64, sc.parallel_access}
      %mul3A_89 = arith.constant 1024 : i32
      %mul3A_90 = arith.muli %mul3A_72, %mul3A_89 : i32
      %add3A_91 = arith.addi %mul3A_34, %mul3A_90 : i32
      %dma_start3A_92 = tpu.memref_slice %arg5[%mul3A_18, %add3A_91] : memref<64x32768xf32, #tpu.memory_space<hbm>> -> memref<8x1024xf32, #tpu.memory_space<hbm>>
      %dma_start3A_93 = tpu.memref_slice %arg5[%mul3A_18, %add3A_91] : memref<64x32768xf32, #tpu.memory_space<hbm>> -> memref<8x1024xf32, #tpu.memory_space<hbm>>
      tpu.enqueue_dma source(%arg12 : memref<8x1024xf32, #tpu.memory_space<vmem>>) target(%dma_start3A_93 : memref<8x1024xf32, #tpu.memory_space<hbm>>) target_semaphore(%arg16 : memref<!tpu.dma_semaphore, #tpu.memory_space<semaphore_mem>>)
      %lt3A_94 = arith.constant 3 : i32
      %lt3A_95 = arith.cmpi slt, %scan3A_70, %lt3A_94 : i32
      %convert_element_type3A_96 = arith.extui %lt3A_95 : i1 to i32
      %cond3A_97 = arith.constant 0 : i32
      %cond3A_98 = arith.cmpi ne, %convert_element_type3A_96, %cond3A_97 : i32
      scf.if %cond3A_98 {
        %add3A_131 = arith.constant 2 : i32
        %add3A_132 = arith.addi %mul3A_72, %add3A_131 : i32
        %mul3A_133 = arith.constant 1024 : i32
        %mul3A_134 = arith.muli %add3A_132, %mul3A_133 : i32
        %add3A_135 = arith.addi %mul3A_34, %mul3A_134 : i32
        %dma_start3A_136 = tpu.memref_slice %arg2[%mul3A_18, %add3A_135] : memref<64x32768xf32, #tpu.memory_space<hbm>> -> memref<8x1024xf32, #tpu.memory_space<hbm>>
        %dma_start3A_137 = tpu.memref_slice %arg2[%mul3A_18, %add3A_135] : memref<64x32768xf32, #tpu.memory_space<hbm>> -> memref<8x1024xf32, #tpu.memory_space<hbm>>
        tpu.enqueue_dma source(%dma_start3A_137 : memref<8x1024xf32, #tpu.memory_space<hbm>>) target(%arg6 : memref<8x1024xf32, #tpu.memory_space<vmem>>) target_semaphore(%arg14 : memref<!tpu.dma_semaphore, #tpu.memory_space<semaphore_mem>>)
        %mul3A_138 = arith.constant 1024 : i32
        %mul3A_139 = arith.muli %add3A_132, %mul3A_138 : i32
        %add3A_140 = arith.addi %mul3A_34, %mul3A_139 : i32
        %dma_start3A_141 = tpu.memref_slice %arg3[%mul3A_18, %add3A_140] : memref<64x32768xf32, #tpu.memory_space<hbm>> -> memref<8x1024xf32, #tpu.memory_space<hbm>>
        %dma_start3A_142 = tpu.memref_slice %arg3[%mul3A_18, %add3A_140] : memref<64x32768xf32, #tpu.memory_space<hbm>> -> memref<8x1024xf32, #tpu.memory_space<hbm>>
        tpu.enqueue_dma source(%dma_start3A_142 : memref<8x1024xf32, #tpu.memory_space<hbm>>) target(%arg8 : memref<8x1024xf32, #tpu.memory_space<vmem>>) target_semaphore(%arg14 : memref<!tpu.dma_semaphore, #tpu.memory_space<semaphore_mem>>)
        %mul3A_143 = arith.constant 1024 : i32
        %mul3A_144 = arith.muli %add3A_132, %mul3A_143 : i32
        %add3A_145 = arith.addi %mul3A_34, %mul3A_144 : i32
        %dma_start3A_146 = tpu.memref_slice %arg4[%mul3A_18, %add3A_145] : memref<64x32768xf32, #tpu.memory_space<hbm>> -> memref<8x1024xf32, #tpu.memory_space<hbm>>
        %dma_start3A_147 = tpu.memref_slice %arg4[%mul3A_18, %add3A_145] : memref<64x32768xf32, #tpu.memory_space<hbm>> -> memref<8x1024xf32, #tpu.memory_space<hbm>>
        tpu.enqueue_dma source(%dma_start3A_147 : memref<8x1024xf32, #tpu.memory_space<hbm>>) target(%arg10 : memref<8x1024xf32, #tpu.memory_space<vmem>>) target_semaphore(%arg14 : memref<!tpu.dma_semaphore, #tpu.memory_space<semaphore_mem>>)
      } else {
      }
      %add3A_99 = arith.constant 0 : i32
      %add3A_100 = arith.addi %mul3A_34, %add3A_99 : i32
      %dma_wait3A_101 = tpu.memref_slice %arg2[%mul3A_18, %add3A_100] : memref<64x32768xf32, #tpu.memory_space<hbm>> -> memref<8x1024xf32, #tpu.memory_space<hbm>>
      %dma_wait3A_102 = tpu.memref_slice %arg2[%mul3A_18, %add3A_100] : memref<64x32768xf32, #tpu.memory_space<hbm>> -> memref<8x1024xf32, #tpu.memory_space<hbm>>
      tpu.wait_dma2 semaphore(%arg15 : memref<!tpu.dma_semaphore, #tpu.memory_space<semaphore_mem>>) src(%dma_wait3A_102 : memref<8x1024xf32, #tpu.memory_space<hbm>>) dst(%arg7 : memref<8x1024xf32, #tpu.memory_space<vmem>>)
      %add3A_103 = arith.constant 0 : i32
      %add3A_104 = arith.addi %mul3A_34, %add3A_103 : i32
      %dma_wait3A_105 = tpu.memref_slice %arg3[%mul3A_18, %add3A_104] : memref<64x32768xf32, #tpu.memory_space<hbm>> -> memref<8x1024xf32, #tpu.memory_space<hbm>>
      %dma_wait3A_106 = tpu.memref_slice %arg3[%mul3A_18, %add3A_104] : memref<64x32768xf32, #tpu.memory_space<hbm>> -> memref<8x1024xf32, #tpu.memory_space<hbm>>
      tpu.wait_dma2 semaphore(%arg15 : memref<!tpu.dma_semaphore, #tpu.memory_space<semaphore_mem>>) src(%dma_wait3A_106 : memref<8x1024xf32, #tpu.memory_space<hbm>>) dst(%arg9 : memref<8x1024xf32, #tpu.memory_space<vmem>>)
      %add3A_107 = arith.constant 0 : i32
      %add3A_108 = arith.addi %mul3A_34, %add3A_107 : i32
      %dma_wait3A_109 = tpu.memref_slice %arg4[%mul3A_18, %add3A_108] : memref<64x32768xf32, #tpu.memory_space<hbm>> -> memref<8x1024xf32, #tpu.memory_space<hbm>>
      %dma_wait3A_110 = tpu.memref_slice %arg4[%mul3A_18, %add3A_108] : memref<64x32768xf32, #tpu.memory_space<hbm>> -> memref<8x1024xf32, #tpu.memory_space<hbm>>
      tpu.wait_dma2 semaphore(%arg15 : memref<!tpu.dma_semaphore, #tpu.memory_space<semaphore_mem>>) src(%dma_wait3A_110 : memref<8x1024xf32, #tpu.memory_space<hbm>>) dst(%arg11 : memref<8x1024xf32, #tpu.memory_space<vmem>>)
      %gt3A_111 = arith.constant 0 : i32
      %gt3A_112 = arith.cmpi sgt, %scan3A_70, %gt3A_111 : i32
      %convert_element_type3A_113 = arith.extui %gt3A_112 : i1 to i32
      %cond3A_114 = arith.constant 0 : i32
      %cond3A_115 = arith.cmpi ne, %convert_element_type3A_113, %cond3A_114 : i32
      scf.if %cond3A_115 {
        %add3A_131 = arith.constant 0 : i32
        %add3A_132 = arith.addi %mul3A_34, %add3A_131 : i32
        %dma_wait3A_133 = tpu.memref_slice %arg5[%mul3A_18, %add3A_132] : memref<64x32768xf32, #tpu.memory_space<hbm>> -> memref<8x1024xf32, #tpu.memory_space<hbm>>
        %dma_wait3A_134 = tpu.memref_slice %arg5[%mul3A_18, %add3A_132] : memref<64x32768xf32, #tpu.memory_space<hbm>> -> memref<8x1024xf32, #tpu.memory_space<hbm>>
        tpu.wait_dma2 semaphore(%arg17 : memref<!tpu.dma_semaphore, #tpu.memory_space<semaphore_mem>>) src(%arg13 : memref<8x1024xf32, #tpu.memory_space<vmem>>) dst(%dma_wait3A_134 : memref<8x1024xf32, #tpu.memory_space<hbm>>)
      } else {
      }
      %add3A_116 = arith.constant 1 : i32
      %add3A_117 = arith.addi %mul3A_72, %add3A_116 : i32
      %parallel_loop3A_118 = arith.constant 0 : i32
      %parallel_loop3A_119 = arith.constant 8 : i32
      %parallel_loop3A_120 = arith.constant 1 : i32
      scf.for %parallel_loop3A_131 = %parallel_loop3A_118 to %parallel_loop3A_119 step %parallel_loop3A_120  : i32 {
        %parallel_loop3A_132 = arith.constant 0 : i32
        %parallel_loop3A_133 = arith.constant 1024 : i32
        %parallel_loop3A_134 = arith.constant 16 : i32
        scf.for %parallel_loop3A_135 = %parallel_loop3A_132 to %parallel_loop3A_133 step %parallel_loop3A_134  : i32 {
          %parallel_loop3A_136 = arith.index_cast %parallel_loop3A_131 : i32 to index
          %parallel_loop3A_137 = arith.index_cast %parallel_loop3A_135 : i32 to index
          %parallel_loop3A_138 = tpu.vector_load %arg7[%parallel_loop3A_136, %parallel_loop3A_137] {strides = array<i32>} : memref<8x1024xf32, #tpu.memory_space<vmem>>, vector<1x16xf32>,
          %parallel_loop3A_139 = vector.shape_cast %parallel_loop3A_138 : vector<1x16xf32> to vector<16xf32>
          %parallel_loop3A_140 = arith.index_cast %parallel_loop3A_131 : i32 to index
          %parallel_loop3A_141 = arith.index_cast %parallel_loop3A_135 : i32 to index
          %parallel_loop3A_142 = tpu.vector_load %arg9[%parallel_loop3A_140, %parallel_loop3A_141] {strides = array<i32>} : memref<8x1024xf32, #tpu.memory_space<vmem>>, vector<1x16xf32>,
          %parallel_loop3A_143 = vector.shape_cast %parallel_loop3A_142 : vector<1x16xf32> to vector<16xf32>
          %parallel_loop3A_144 = arith.index_cast %parallel_loop3A_131 : i32 to index
          %parallel_loop3A_145 = arith.index_cast %parallel_loop3A_135 : i32 to index
          %parallel_loop3A_146 = tpu.vector_load %arg11[%parallel_loop3A_144, %parallel_loop3A_145] {strides = array<i32>} : memref<8x1024xf32, #tpu.memory_space<vmem>>, vector<1x16xf32>,
          %parallel_loop3A_147 = vector.shape_cast %parallel_loop3A_146 : vector<1x16xf32> to vector<16xf32>
          %parallel_loop3A_148 = arith.minimumf %parallel_loop3A_139, %parallel_loop3A_143 : vector<16xf32>
          %parallel_loop3A_149 = arith.maximumf %parallel_loop3A_139, %parallel_loop3A_143 : vector<16xf32>
          %parallel_loop3A_150 = arith.minimumf %parallel_loop3A_149, %parallel_loop3A_147 : vector<16xf32>
          %parallel_loop3A_151 = arith.maximumf %parallel_loop3A_148, %parallel_loop3A_150 : vector<16xf32>
          %parallel_loop3A_152 = arith.index_cast %parallel_loop3A_131 : i32 to index
          %parallel_loop3A_153 = arith.index_cast %parallel_loop3A_135 : i32 to index
          %parallel_loop3A_154 = tpu.vector_load %arg13[%parallel_loop3A_152, %parallel_loop3A_153] {strides = array<i32>} : memref<8x1024xf32, #tpu.memory_space<vmem>>, vector<1x16xf32>,
          %parallel_loop3A_155 = vector.shape_cast %parallel_loop3A_154 : vector<1x16xf32> to vector<16xf32>
          %parallel_loop3A_156 = vector.shape_cast %parallel_loop3A_151 : vector<16xf32> to vector<1x16xf32>
          tpu.vector_store %arg13[%parallel_loop3A_152, %parallel_loop3A_153], %parallel_loop3A_156 {strides = array<i32>} : memref<8x1024xf32, #tpu.memory_space<vmem>>, vector<1x16xf32>,
        } {sc.loop_unroll_factor = 8 : i64, sc.parallel_access}
      } {sc.loop_unroll_factor = 1 : i64, sc.parallel_access}
      %mul3A_121 = arith.constant 1024 : i32
      %mul3A_122 = arith.muli %add3A_117, %mul3A_121 : i32
      %add3A_123 = arith.addi %mul3A_34, %mul3A_122 : i32
      %dma_start3A_124 = tpu.memref_slice %arg5[%mul3A_18, %add3A_123] : memref<64x32768xf32, #tpu.memory_space<hbm>> -> memref<8x1024xf32, #tpu.memory_space<hbm>>
      %dma_start3A_125 = tpu.memref_slice %arg5[%mul3A_18, %add3A_123] : memref<64x32768xf32, #tpu.memory_space<hbm>> -> memref<8x1024xf32, #tpu.memory_space<hbm>>
      tpu.enqueue_dma source(%arg13 : memref<8x1024xf32, #tpu.memory_space<vmem>>) target(%dma_start3A_125 : memref<8x1024xf32, #tpu.memory_space<hbm>>) target_semaphore(%arg17 : memref<!tpu.dma_semaphore, #tpu.memory_space<semaphore_mem>>)
      %lt3A_126 = arith.constant 3 : i32
      %lt3A_127 = arith.cmpi slt, %scan3A_70, %lt3A_126 : i32
      %convert_element_type3A_128 = arith.extui %lt3A_127 : i1 to i32
      %cond3A_129 = arith.constant 0 : i32
      %cond3A_130 = arith.cmpi ne, %convert_element_type3A_128, %cond3A_129 : i32
      scf.if %cond3A_130 {
        %add3A_131 = arith.constant 3 : i32
        %add3A_132 = arith.addi %mul3A_72, %add3A_131 : i32
        %mul3A_133 = arith.constant 1024 : i32
        %mul3A_134 = arith.muli %add3A_132, %mul3A_133 : i32
        %add3A_135 = arith.addi %mul3A_34, %mul3A_134 : i32
        %dma_start3A_136 = tpu.memref_slice %arg2[%mul3A_18, %add3A_135] : memref<64x32768xf32, #tpu.memory_space<hbm>> -> memref<8x1024xf32, #tpu.memory_space<hbm>>
        %dma_start3A_137 = tpu.memref_slice %arg2[%mul3A_18, %add3A_135] : memref<64x32768xf32, #tpu.memory_space<hbm>> -> memref<8x1024xf32, #tpu.memory_space<hbm>>
        tpu.enqueue_dma source(%dma_start3A_137 : memref<8x1024xf32, #tpu.memory_space<hbm>>) target(%arg7 : memref<8x1024xf32, #tpu.memory_space<vmem>>) target_semaphore(%arg15 : memref<!tpu.dma_semaphore, #tpu.memory_space<semaphore_mem>>)
        %mul3A_138 = arith.constant 1024 : i32
        %mul3A_139 = arith.muli %add3A_132, %mul3A_138 : i32
        %add3A_140 = arith.addi %mul3A_34, %mul3A_139 : i32
        %dma_start3A_141 = tpu.memref_slice %arg3[%mul3A_18, %add3A_140] : memref<64x32768xf32, #tpu.memory_space<hbm>> -> memref<8x1024xf32, #tpu.memory_space<hbm>>
        %dma_start3A_142 = tpu.memref_slice %arg3[%mul3A_18, %add3A_140] : memref<64x32768xf32, #tpu.memory_space<hbm>> -> memref<8x1024xf32, #tpu.memory_space<hbm>>
        tpu.enqueue_dma source(%dma_start3A_142 : memref<8x1024xf32, #tpu.memory_space<hbm>>) target(%arg9 : memref<8x1024xf32, #tpu.memory_space<vmem>>) target_semaphore(%arg15 : memref<!tpu.dma_semaphore, #tpu.memory_space<semaphore_mem>>)
        %mul3A_143 = arith.constant 1024 : i32
        %mul3A_144 = arith.muli %add3A_132, %mul3A_143 : i32
        %add3A_145 = arith.addi %mul3A_34, %mul3A_144 : i32
        %dma_start3A_146 = tpu.memref_slice %arg4[%mul3A_18, %add3A_145] : memref<64x32768xf32, #tpu.memory_space<hbm>> -> memref<8x1024xf32, #tpu.memory_space<hbm>>
        %dma_start3A_147 = tpu.memref_slice %arg4[%mul3A_18, %add3A_145] : memref<64x32768xf32, #tpu.memory_space<hbm>> -> memref<8x1024xf32, #tpu.memory_space<hbm>>
        tpu.enqueue_dma source(%dma_start3A_147 : memref<8x1024xf32, #tpu.memory_space<hbm>>) target(%arg11 : memref<8x1024xf32, #tpu.memory_space<vmem>>) target_semaphore(%arg15 : memref<!tpu.dma_semaphore, #tpu.memory_space<semaphore_mem>>)
      } else {
      }
    }
    %scan3A_62 = arith.constant 4 : i32
    %add3A_63 = arith.constant 0 : i32
    %add3A_64 = arith.addi %mul3A_34, %add3A_63 : i32
    %dma_wait3A = tpu.memref_slice %arg5[%mul3A_18, %add3A_64] : memref<64x32768xf32, #tpu.memory_space<hbm>> -> memref<8x1024xf32, #tpu.memory_space<hbm>>
    %dma_wait3A_65 = tpu.memref_slice %arg5[%mul3A_18, %add3A_64] : memref<64x32768xf32, #tpu.memory_space<hbm>> -> memref<8x1024xf32, #tpu.memory_space<hbm>>
    tpu.wait_dma2 semaphore(%arg16 : memref<!tpu.dma_semaphore, #tpu.memory_space<semaphore_mem>>) src(%arg12 : memref<8x1024xf32, #tpu.memory_space<vmem>>) dst(%dma_wait3A_65 : memref<8x1024xf32, #tpu.memory_space<hbm>>)
    %add3A_66 = arith.constant 0 : i32
    %add3A_67 = arith.addi %mul3A_34, %add3A_66 : i32
    %dma_wait3A_68 = tpu.memref_slice %arg5[%mul3A_18, %add3A_67] : memref<64x32768xf32, #tpu.memory_space<hbm>> -> memref<8x1024xf32, #tpu.memory_space<hbm>>
    %dma_wait3A_69 = tpu.memref_slice %arg5[%mul3A_18, %add3A_67] : memref<64x32768xf32, #tpu.memory_space<hbm>> -> memref<8x1024xf32, #tpu.memory_space<hbm>>
    tpu.wait_dma2 semaphore(%arg17 : memref<!tpu.dma_semaphore, #tpu.memory_space<semaphore_mem>>) src(%arg13 : memref<8x1024xf32, #tpu.memory_space<vmem>>) dst(%dma_wait3A_69 : memref<8x1024xf32, #tpu.memory_space<hbm>>)
    return
  }
}

</mosaic_0001>

<sc_bundles>
// kernel: kernel.3.cloned.1.call-start
scs
__scs_entry_jumppad:
0x0: {  	(pc) =	sbr.rel $0x88, $3  }
0x1: {  	(tag) =	ssettag $0x0;
	lr =	simm.s32 $0x1  }
0x2: {  	[smem:$0x3F9E] =	sst lr;
	_ =	strace $0xD0000000  }
0x3: {  	_ = 	snop  }
0x4: {  	_ = 	snop  }
0x5: {  	_ = 	snop  }
0x6: {  	_ = 	snop  }
0x7: {  	_ = 	snop  }
__scs_overlays_trampoline_lowered:
0x8: {  	[smem:$0x3FAD] =	sst s0  }
0x9: {  	[smem:$0x3FAE] =	sst s1  }
0xa: {  	[smem:$0x3FAF] =	sst s2  }
0xb: {  	[smem:$0x3FB0] =	sst s3  }
0xc: {  	[smem:$0x3FB1] =	sst s4  }
0xd: {  	[smem:$0x3FB2] =	sst s5  }
0xe: {  	[smem:$0x3FB3] =	sst s6  }
0xf: {  	[smem:$0x3FB4] =	sst s7  }
0x10: {  	[smem:$0x3FB5] =	sst s8  }
0x11: {  	[smem:$0x3FB6] =	sst s9;
	s0 =	simm.s32 @!p0 $0x0  }
0x12: {  	s1 =	sld [smem:$0x3F9C];
	s0 =	simm.s32 @p0 $0x1  }
0x13: {  	[smem:$0x3FB7] =	sst s0;
	s0 =	simm.s32 @!p1 $0x0  }
0x14: {  	s2 =	sld [smem:$0x3F9B];
	s0 =	simm.s32 @p1 $0x1  }
0x15: {  	[smem:$0x3FB8] =	sst s0;
	s0 =	simm.s32 @!p2 $0x0  }
0x16: {  	s3 =	sld [smem:$0x3FDB];
	s0 =	simm.s32 @p2 $0x1  }
0x17: {  	s4 =	simm.s32 $0x1BF5;
	[smem:$0x3FBA] =	sst s0  }
0x18: {  	s0 =	sld [smem:$0x3F9D];
	_ =	swait.ge [sflag:s4], $0x0  }
0x19: {  	s7 =	sld [smem:$0x3F9E]  }
0x1a: {  	s8 =	sadd.s32 $0xFFFFE003, lr  }
0x1b: {  	s9 =	sadd.s32 $0xFFFFFEF7, lr;
	s5 =	simm.s32 $0xFFFFFFFF;
	p2 =	slt.u32 s8, $0xFFFFF086  }
0x1c: {  	p1 =	slt.u32 s9, $0xF7A;
	s5 =	simm.s32 @!p2 $0x0  }
0x1d: {  	s5 =	simm.s32 @p1 $0x1;
	p0 =	seq.s32 s7, s2  }
0x1e: {  	s7 =	smul.u32 @!p0 $0xF7A, s2;
	p2 =	seq.s32 @!p0 s5, $0x0  }
0x1f: {  	s9 =	smul.u32 $0xF7A, s1;
	s8 =	simm.s32 @!p0 $0x1BF5;
	p2 =	por !p2, p0  }
0x20: {  	[sflag:s8] =	ssyncset.s32 @!p0 $0xFFFFF086;
	s6 =	sadd.s32 @!p0 s3, s7;
	s7 =	simm.s32 @!p0 $0x108  }
0x21: {  	s3 =	sadd.s32 s3, s9;
	s6 =	sadd.s32 @!p0 $0x88, s6;
	s7 =	simm.s32 @p2 $0x1082  }
0x22: {  	[simem:s7], [sflag:s8] =	dma.local @!p0 [hbm:s6], $0xF7A  }
0x23: {  	s9 =	sor.u32 $0xD0000000, s2;
	s6 =	simm.s32 $0x108;
	_ =	swait.ge @!p0 [sflag:s8], $0x0  }
0x24: {  	s3 =	sadd.s32 $0x88, s3;
	s6 =	simm.s32 @!p1 $0x1082;
	[sflag:s4] =	ssyncset.s32 $0xFFFFF086  }
0x25: {  	[simem:s6], [sflag:s4] =	dma.local [hbm:s3], $0xF7A  }
0x26: {  	[smem:$0x3F9E] =	sst s1;
	(tag) =	ssettag s2;
	_ =	strace s9  }
0x27: {  	s1 =	sld [smem:$0x3FAE]  }
0x28: {  	s2 =	sld [smem:$0x3FAF]  }
0x29: {  	s4 =	sld [smem:$0x3FB1]  }
0x2a: {  	p0 =	seq.s32 s5, $0x0;
	s5 =	sld [smem:$0x3FB2]  }
0x2b: {  	s6 =	sld [smem:$0x3FB3]  }
0x2c: {  	s7 =	sld [smem:$0x3FB4]  }
0x2d: {  	s3 =	simm.s32 $0x108;
	s8 =	sld [smem:$0x3FB5]  }
0x2e: {  	s3 =	simm.s32 @!p0 $0x1082;
	s9 =	sld [smem:$0x3FB6]  }
0x2f: {  	lr =	sadd.s32 s0, s3;
	s0 =	sld [smem:$0x3FAD]  }
0x30: {  	s3 =	sld [smem:$0x3FB0]  }
0x31: {  	[smem:$0x3FB9] =	sst s10  }
0x32: {  	s10 =	sld [smem:$0x3FB7];
	_ =	sdelay $0x3  }
0x33: {  	p0 =	seq.s32 s10, $0x1;
	s10 =	sld [smem:$0x3FB9];
	_ =	sdelay $0x3  }
0x34: {  	[smem:$0x3FB9] =	sst s10  }
0x35: {  	s10 =	sld [smem:$0x3FB8];
	_ =	sdelay $0x3  }
0x36: {  	p1 =	seq.s32 s10, $0x1;
	s10 =	sld [smem:$0x3FB9];
	_ =	sdelay $0x3  }
0x37: {  	[smem:$0x3FB9] =	sst s10  }
0x38: {  	s10 =	sld [smem:$0x3FBA]  }
0x39: {  	_ = 	snop;
	(pc) =	sbr.ind lr, $3  }
0x3a: {  	_ = 	snop  }
0x3b: {  	_ = 	snop  }
0x3c: {  	p2 =	seq.s32 s10, $0x1;
	s10 =	sld [smem:$0x3FB9]  }
0x3d: {  	_ =	shalt  }
0x3e: {  	_ =	shalt  }
0x3f: {  	_ =	shalt  }
0x40: {  	_ =	shalt  }
0x41: {  	_ =	shalt  }
0x42: {  	_ =	shalt  }
0x43: {  	_ =	shalt  }
0x44: {  	_ =	shalt  }
0x45: {  	_ =	shalt  }
0x46: {  	_ =	shalt  }
0x47: {  	_ =	shalt  }
0x48: {  	_ =	shalt  }
0x49: {  	_ =	shalt  }
0x4a: {  	_ =	shalt  }
0x4b: {  	_ =	shalt  }
0x4c: {  	_ =	shalt  }
0x4d: {  	_ =	shalt  }
0x4e: {  	_ =	shalt  }
0x4f: {  	_ =	shalt  }
0x50: {  	_ =	shalt  }
0x51: {  	_ =	shalt  }
0x52: {  	_ =	shalt  }
0x53: {  	_ =	shalt  }
0x54: {  	_ =	shalt  }
0x55: {  	_ =	shalt  }
0x56: {  	_ =	shalt  }
0x57: {  	_ =	shalt  }
0x58: {  	_ =	shalt  }
0x59: {  	_ =	shalt  }
0x5a: {  	_ =	shalt  }
0x5b: {  	_ =	shalt  }
0x5c: {  	_ =	shalt  }
0x5d: {  	_ =	shalt  }
0x5e: {  	_ =	shalt  }
0x5f: {  	_ =	shalt  }
0x60: {  	_ =	shalt  }
0x61: {  	_ =	shalt  }
0x62: {  	_ =	shalt  }
0x63: {  	_ =	shalt  }
0x64: {  	_ =	shalt  }
0x65: {  	_ =	shalt  }
0x66: {  	_ =	shalt  }
0x67: {  	_ =	shalt  }
0x68: {  	_ =	shalt  }
0x69: {  	_ =	shalt  }
0x6a: {  	_ =	shalt  }
0x6b: {  	_ =	shalt  }
0x6c: {  	_ =	shalt  }
0x6d: {  	_ =	shalt  }
0x6e: {  	_ =	shalt  }
0x6f: {  	_ =	shalt  }
0x70: {  	_ =	shalt  }
0x71: {  	_ =	shalt  }
0x72: {  	_ =	shalt  }
0x73: {  	_ =	shalt  }
0x74: {  	_ =	shalt  }
0x75: {  	_ =	shalt  }
0x76: {  	_ =	shalt  }
0x77: {  	_ =	shalt  }
0x78: {  	_ =	shalt  }
0x79: {  	_ =	shalt  }
0x7a: {  	_ =	shalt  }
0x7b: {  	_ =	shalt  }
0x7c: {  	_ =	shalt  }
0x7d: {  	_ =	shalt  }
0x7e: {  	_ =	shalt  }
0x7f: {  	_ =	shalt  }
0x80: {  	_ =	shalt  }
0x81: {  	_ =	shalt  }
0x82: {  	_ =	shalt  }
0x83: {  	_ =	shalt  }
0x84: {  	_ =	shalt  }
0x85: {  	_ =	shalt  }
0x86: {  	_ =	shalt  }
0x87: {  	_ =	shalt  }
.Lfunc_end0:
.L_simem_size_0:
called_computation_lowered:
.L_overlay_start_0:
0x88: {  	s2 =	sld [smem:$0x3FD9]  }
0x89: {  	s3 =	sld [smem:$0x3FFE];
	_ =	sdelay $0x1  }
0x8a: {  	s1 =	srdreg.scid  }
0x8b: {  	s0 =	sand.u32 $0x1, s1  }
0x8c: {  	s18 =	sshll.u32 s0, $0xA;
	s2 =	sadd.s32 s3, s2  }
0x8d: {  	s2 =	sadd.s32 s2, s18  }
0x8e: {  	[smem:$0x3FC5] =	sst s2  }
0x8f: {  	_ = 	snop  }
0x90: {  	s2 =	sld [smem:$0x3FC9]  }
0x91: {  	s19 =	sld [smem:$0x3FC8]  }
0x92: {  	s4 =	sld [smem:$0x3FC7]  }
0x93: {  	s5 =	sld [smem:$0x3FD0];
	(tm) =	ssettm $0x1  }
0x94: {  	s6 =	sld [smem:$0x3FFB];
	_ =	sdelay $0x3  }
0x95: {  	_ =	strace s6  }
0x96: {  	s6 =	sld [smem:$0x3FFC];
	_ =	sdelay $0x3  }
0x97: {  	_ =	strace s6  }
0x98: {  	s6 =	sld [smem:$0x3FFD];
	_ =	sdelay $0x3  }
0x99: {  	_ =	strace s6  }
0x9a: {  	_ =	strace $0x8FFFFFFF  }
0x9b: {  	s20 =	sld [smem:$0x3FDB];
	_ =	sdelay $0x1  }
0x9c: {  	s7 =	simm.s32 $_scs_section_size  }
0x9d: {  	s8 =	simm.s32 $_size__tile_overlayer_lowered;
	s9 =	simm.s32 $_tile_overlayer_lowered  }
0x9e: {  	s23 =	simm.s32 $0x1BFF;
	s22 =	sshll.u32 s9, $0x1;
	s6 =	sadd.s32 s7, s20  }
0x9f: {  	s10 =	simm.s32 $0x0;
	s21 =	sshll.u32 s8, $0x1;
	s8 =	sadd.s32 s22, s6  }
0xa0: {  	[timem:s10], [sflag:s23] =	dma.local [hbm:s8], s21  }
0xa1: {  	_ =	swait.ge [sflag:s23], s21  }
0xa2: {  	s7 =	ssub.s32 $0x0, s21;
	[sflag:s23] =	ssyncset.done $0x0  }
0xa3: {  	[sflag:s23] =	ssyncadd.s32 s7;
	_ =	sdelay $0x1  }
0xa4: {  	s24 =	simm.s32 $0x1B8B  }
0xa5: {  	_ =	swait.ge [sflag:s24], $0x1  }
0xa6: {  	[sflag:s24] =	ssyncset.done $0x0  }
0xa7: {  	s25 =	simm.s32 $0x1B8E;
	[sflag:s24] =	ssyncadd.s32 $0xFFFFFFFF  }
0xa8: {  	s26 =	simm.s32 $execute0_lowered;
	[smem:$0x3FD2] =	sst s25  }
0xa9: {  	s7 =	sshll.u32 s26, $0x1;
	_ =	strace $0x80000046;
	[dreg:$0x1] =	wrdreg $0xFFFFFFFF  }
0xaa: {  	s28 =	simm.s32 $_size_execute0_lowered;
	s6 =	sadd.s32 s6, s7;
	[dreg:$0x0] =	wrdreg $0x0  }
0xab: {  	s7 =	sshll.u32 s28, $0x1;
	[dreg:$0x2] =	wrdreg s6  }
0xac: {  	[dreg:$0x3] =	wrdreg s7  }
0xad: {  	[dreg:$0x4] =	wrdreg $0xC0  }
0xae: {  	_ =	task [dreg:s10], $0x5FFFF  }
0xaf: {  	[dreg:$0x1] =	wrdreg $0xFFFFFFFF  }
0xb0: {  	[dreg:$0x0] =	wrdreg $0x60  }
0xb1: {  	[dreg:$0x2] =	wrdreg s2  }
0xb2: {  	[dreg:$0x3] =	wrdreg s19  }
0xb3: {  	[dreg:$0x4] =	wrdreg s4  }
0xb4: {  	[dreg:$0x5] =	wrdreg s5  }
0xb5: {  	[dreg:$0x6] =	wrdreg $0x9  }
0xb6: {  	_ =	task.clear_ibuf [dreg:s10], $0x7FFFF;
	_ =	strace $0x90000046  }
0xb7: {  	s29 =	simm.s32 $0x9;
	_ =	strace $0x80000048  }
0xb8: {  	_ =	swait.ge [sflag:s29], $0x1  }
0xb9: {  	[sflag:s29] =	ssyncadd.s32 $0xFFFFFFFF  }
0xba: {  	_ =	strace $0x90000048  }
0xbb: {  	_ =	sfence  }
0xbc: {  	s30 =	sld [smem:$0x0];
	_ =	sdelay $0x2  }
0xbd: {  	s31 =	sshll.u32 s1, $0xD;
	s1 =	sshrl.u32 s1, $0x2  }
0xbe: {  	s3 =	sand.u32 $0x4000, s31;
	s1 =	sadd.s32 s1, s30  }
0xbf: {  	s0 =	sor.u32 s3, s0;
	s1 =	sshll.u32 s1, $0x11  }
0xc0: {  	s0 =	sor.u32 s1, s0  }
0xc1: {  	s0 =	sadd.s32 $0x8F2B, s0  }
0xc2: {  	[sflag:s0] =	ssyncadd.remote.s32 $0x1  }
0xc3: {  	_ =	sfence.sel $0xFFFF  }
0xc4: {  	[dreg:$0x0] =	wrdreg $0xFFFFFFFF;
	(pc) =	sbr.abs _section_cstart, $3  }
0xc5: {  	[dreg:$0x1] =	wrdreg $0xFFFFFFFF  }
0xc6: {  	_ =	task.clear_ibuf [dreg:s10], $0x2FFFF;
	_ =	strace $0x9FFFFFFF  }
0xc7: {  	(tm) =	ssettm $0x7FFFFFFF  }
tec
execute0_lowered:
.L_overlay_start_1:
0x0: {  	(tag) =	ssettag $0x1  }
0x1: {  	s1 =	rddreg [dreg:$0x0]  }
0x2: {  	s2 =	rddreg [dreg:$0x1]  }
0x3: {  	s4 =	rddreg [dreg:$0x2]  }
0x4: {  	s5 =	rddreg [dreg:$0x3];
	s6 =	simm.s32 $0x0;
	s7 =	stileid.u32  }
0x5: {  	s0 =	srdreg.scid;
	s28 =	simm.s32 $0x3;
	s29 =	simm.s32 $0x4  }
0x6: {  	s30 =	simm.s32 $0x0;
	[smem:$0x7FF] =	sst s6;
	s3 =	sshll.u32 s7, $0x1  }
0x7: {  	s0 =	sand.u32 $0x1, s0;
	s17 =	sshll.u32 s7, $0x11;
	s3 =	sand.u32 $0x2, s3  }
0x8: {  	_ =	strace $0x80000047;
	s8 =	ssub.s32 $0x2, s0;
	s0 =	sor.u32 s0, s3  }
0x9: {  	s9 =	sshrl.u32 s8, $0x1;
	s3 =	sand.u32 $0x1C0000, s17;
	s18 =	sshll.u32 s0, $0x10  }
0xa: {  	s0 =	sshll.u32 s0, $0xD;
	s10 =	sshrl.u32 s3, $0x3;
	s19 =	ssub.s32 s8, s9  }
0xb: {  	s7 =	sor.u32 s3, s18;
	s0 =	sor.u32 s10, s0;
	s31 =	smax.u32 s19, $0x1  }
0xc: {  	s20 =	sshrl.u32 s7, $0x3;
	s21 =	sadd.s32 s1, s0;
	[dreg:$0xb] =	wrdreg s31  }
0xd: {  	s22 =	sadd.s32 s2, s0;
	s23 =	sadd.s32 s4, s0;
	[dreg:$0x5] =	wrdreg s21  }
0xe: {  	s14 =	sor.u32 $0x800, s0;
	s26 =	sadd.s32 s0, s5;
	[dreg:$0x6] =	wrdreg s22  }
0xf: {  	s16 =	sor.u32 $0xC00, s0;
	s8 =	sor.u32 $0x400, s20;
	[dreg:$0x7] =	wrdreg s23  }
.Ltmp0:
0x10: {  	s15 =	sadd.s32 $0x400, s26;
	s20 =	simm.s32 $0x2000;
	(pc) =	sbr.rel .LBB2_1-.Ltmp0, $4  }
0x11: {  	s21 =	simm.s32 $0x6000;
	s22 =	simm.s32 $0xA000;
	s24 =	sadd.s32 s1, s8  }
0x12: {  	s23 =	simm.s32 $0x1;
	s25 =	sadd.s32 s2, s8;
	[dreg:$0x8] =	wrdreg s24  }
0x13: {  	s26 =	simm.s32 $0xE000;
	s8 =	sadd.s32 s4, s8;
	[dreg:$0x9] =	wrdreg s25  }
0x14: {  	[dreg:$0xa] =	wrdreg s8;
	s24 =	simm.s32 $0xC000;
	s25 =	simm.s32 $0x2  }
.LBB2_12:
0x15: {  	_ =	swait.ge [sflag:s28], $0x2000  }
0x16: {  	[sflag:s28] =	ssyncset.done $0x0  }
0x17: {  	[sflag:s28] =	ssyncadd.s32 $0xFFFFE000  }
0x18: {  	_ =	swait.ge [sflag:s29], $0x2000  }
0x19: {  	s30 =	sadd.s32 $0x1, s30;
	s0 =	rddreg [dreg:$0xb]  }
0x1a: {  	p0 =	sne.s32 s30, s0  }
.Ltmp1:
0x1b: {  	_ = 	snop;
	(pc) =	sbr.rel @!p0 .LBB2_13-.Ltmp1, $3  }
0x1c: {  	_ =	sdelay $0x1  }
0x1d: {  	[sflag:s29] =	ssyncset.done $0x0  }
0x1e: {  	[sflag:s29] =	ssyncadd.s32 $0xFFFFE000  }
.LBB2_1:
0x1f: {  	s0 =	rddreg [dreg:$0x5]  }
0x20: {  	[tilespmem:s6], [sflag:$0x1] =	stream.linear.gather [hbm4b:s0+s6], $0x2000, $0x38;
	[tilespmem:$0x10000] =	vst v63  }
0x21: {  	s11 =	rddreg [dreg:$0x6];
	s3 =	simm.s32 $0x4000  }
0x22: {  	[tilespmem:s3], [sflag:$0x1] =	stream.linear.gather [hbm4b:s11+s6], $0x2000, $0x38;
	[tilespmem:$0x10000] =	vst v63  }
0x23: {  	s12 =	rddreg [dreg:$0x7];
	s13 =	simm.s32 $0x8000  }
0x24: {  	[tilespmem:s13], [sflag:$0x1] =	stream.linear.gather [hbm4b:s12+s6], $0x2000, $0x38;
	[tilespmem:$0x10000] =	vst v63  }
0x25: {  	s17 =	rddreg [dreg:$0x8]  }
0x26: {  	[tilespmem:s20], [sflag:$0x2] =	stream.linear.gather [hbm4b:s17+s6], $0x2000, $0x38;
	[tilespmem:$0x10000] =	vst v63  }
0x27: {  	s18 =	rddreg [dreg:$0x9]  }
0x28: {  	[tilespmem:s21], [sflag:$0x2] =	stream.linear.gather [hbm4b:s18+s6], $0x2000, $0x38;
	[tilespmem:$0x10000] =	vst v63  }
0x29: {  	s19 =	rddreg [dreg:$0xa];
	s31 =	simm.s32 $0x0  }
0x2a: {  	[tilespmem:s22], [sflag:$0x2] =	stream.linear.gather [hbm4b:s19+s6], $0x2000, $0x38;
	[tilespmem:$0x10000] =	vst v63  }
.LBB2_2:
0x2b: {  	_ =	swait.ge [sflag:s23], $0x2000  }
0x2c: {  	[sflag:s23] =	ssyncset.done $0x0  }
0x2d: {  	[sflag:s23] =	ssyncadd.s32 $0xFFFFE000  }
0x2e: {  	_ =	swait.ge [sflag:s23], $0x2000  }
0x2f: {  	[sflag:s23] =	ssyncset.done $0x0  }
0x30: {  	[sflag:s23] =	ssyncadd.s32 $0xFFFFE000  }
0x31: {  	_ =	swait.ge [sflag:s23], $0x2000  }
0x32: {  	p0 =	seq.s32 s31, $0x0;
	[sflag:s23] =	ssyncset.done $0x0  }
0x33: {  	s3 =	simm.s32 @!p0 $0x3;
	[sflag:s23] =	ssyncadd.s32 $0xFFFFE000  }
0x34: {  	s0 =	sshll.u32 s31, $0xB;
	s10 =	simm.s32 $0xC040;
	_ =	swait.ge @!p0 [sflag:s3], $0x2000  }
0x35: {  	s17 =	simm.s32 $0x8040;
	s13 =	simm.s32 $0x4040;
	[sflag:s3] =	ssyncset.done @!p0 $0x0  }
0x36: {  	s9 =	simm.s32 $0x40;
	[sflag:s3] =	ssyncadd.s32 @!p0 $0xFFFFE000;
	s3 =	simm.s32 $0x0  }
.LBB2_3:
0x37: {  	v0 =	vld [tilespmem:s9+$0x30]  }
0x38: {  	v1 =	vld [tilespmem:s13+$0x30]  }
0x39: {  	v2 =	vld [tilespmem:s17+$0x30]  }
0x3a: {  	v5 =	vld [tilespmem:s13+$0xFFFFFFC0]  }
0x3b: {  	v4 =	vld [tilespmem:s9+$0xFFFFFFD0]  }
0x3c: {  	v6 =	vld [tilespmem:s13+$0xFFFFFFD0]  }
0x3d: {  	v7 =	vld [tilespmem:s9+$0xFFFFFFE0]  }
0x3e: {  	v8 =	vld [tilespmem:s13+$0xFFFFFFE0]  }
0x3f: {  	v10 =	vld [tilespmem:s9+$0xFFFFFFF0]  }
0x40: {  	v11 =	vld [tilespmem:s13+$0xFFFFFFF0]  }
0x41: {  	v12 =	vld [tilespmem:s9+$0x0]  }
0x42: {  	v13 =	vld [tilespmem:s13+$0x0]  }
0x43: {  	v14 =	vld [tilespmem:s9+$0x10]  }
0x44: {  	v16 =	vld [tilespmem:s13+$0x10]  }
0x45: {  	v17 =	vld [tilespmem:s9+$0x20]  }
0x46: {  	v18 =	vld [tilespmem:s13+$0x20]  }
0x47: {  	v19 =	vld [tilespmem:s9+$0xFFFFFFC0]  }
0x48: {  	v20 =	vld [tilespmem:s17+$0xFFFFFFC0];
	v3 =	vmax.f32 v0, v1;
	v0 =	vmin.f32 v0, v1;
	v22 =	vmax.f32 v4, v6  }
0x49: {  	v23 =	vld [tilespmem:s17+$0xFFFFFFD0];
	v9 =	vmax.f32 v7, v8;
	v1 =	vmin.f32 v3, v2;
	v3 =	vmin.f32 v4, v6  }
0x4a: {  	v15 =	vld [tilespmem:s17+$0xFFFFFFE0];
	v2 =	vmin.f32 v12, v13;
	v6 =	vmax.f32 v12, v13;
	v4 =	vmin.f32 v14, v16  }
0x4b: {  	v12 =	vld [tilespmem:s17+$0xFFFFFFF0];
	v21 =	vmax.f32 v0, v1;
	v1 =	vmin.f32 v7, v8;
	v0 =	vmin.f32 v10, v11  }
0x4c: {  	v13 =	vld [tilespmem:s17+$0x0];
	v7 =	vmax.f32 v10, v11;
	v8 =	vmax.f32 v14, v16;
	v10 =	vmax.f32 v19, v5  }
0x4d: {  	s11 =	simm.s32 $0x0;
	s12 =	sadd.s32 $0x400, s9;
	v14 =	vmin.f32 v19, v5;
	v5 =	vmin.f32 v17, v18;
	v11 =	vld [tilespmem:s17+$0x10];
	v16 =	vmin.f32 v10, v20  }
0x4e: {  	s18 =	smov.u32 s10;
	s8 =	smov.u32 s13;
	s19 =	smov.u32 s17;
	[tilespmem:s10+$0x30] =	vst v21;
	v10 =	vmax.f32 v17, v18;
	v17 =	vmin.f32 v22, v23;
	v16 =	vmax.f32 v14, v16;
	v14 =	vld [tilespmem:s17+$0x20]  }
.LBB2_4:
0x4f: {  	v18 =	vld [tilespmem:s12+$0x30];
	[tilespmem:s18+$0xFFFFFFC0] =	vst v16;
	v3 =	vmax.f32 v3, v17;
	v9 =	vmin.f32 v9, v15;
	s8 =	sadd.s32 $0x400, s8  }
0x50: {  	s11 =	sadd.s32 $0x80, s11;
	s19 =	sadd.s32 $0x400, s19;
	v15 =	vld [tilespmem:s8+$0x30];
	[tilespmem:s18+$0xFFFFFFD0] =	vst v3;
	v1 =	vmax.f32 v1, v9;
	v3 =	vmin.f32 v7, v12  }
0x51: {  	p1 =	slt.u32 s11, $0x380;
	v7 =	vld [tilespmem:s19+$0x30];
	[tilespmem:s18+$0xFFFFFFE0] =	vst v1;
	v0 =	vmax.f32 v0, v3;
	v1 =	vmin.f32 v6, v13  }
0x52: {  	v13 =	vld [tilespmem:s8+$0xFFFFFFC0];
	[tilespmem:s18+$0xFFFFFFF0] =	vst v0;
	v0 =	vmax.f32 v2, v1;
	v1 =	vmin.f32 v8, v11  }
0x53: {  	v2 =	vld [tilespmem:s12+$0xFFFFFFD0];
	[tilespmem:s18+$0x0] =	vst v0;
	v0 =	vmax.f32 v4, v1;
	v1 =	vmin.f32 v10, v14  }
0x54: {  	v4 =	vld [tilespmem:s8+$0xFFFFFFD0];
	[tilespmem:s18+$0x10] =	vst v0;
	v0 =	vmax.f32 v5, v1  }
0x55: {  	v5 =	vld [tilespmem:s12+$0xFFFFFFE0];
	v1 =	vmax.f32 v18, v15;
	[tilespmem:s18+$0x20] =	vst v0  }
0x56: {  	v3 =	vmin.f32 v18, v15;
	v0 =	vld [tilespmem:s8+$0xFFFFFFE0];
	v1 =	vmin.f32 v1, v7  }
0x57: {  	s18 =	sadd.s32 $0x400, s18;
	v6 =	vld [tilespmem:s12+$0xFFFFFFF0];
	v1 =	vmax.f32 v3, v1  }
0x58: {  	v7 =	vld [tilespmem:s8+$0xFFFFFFF0];
	[tilespmem:s18+$0x30] =	vst v1  }
0x59: {  	v3 =	vmin.f32 v2, v4;
	v14 =	vmax.f32 v2, v4;
	v4 =	vld [tilespmem:s12+$0x0]  }
0x5a: {  	v8 =	vld [tilespmem:s8+$0x0]  }
0x5b: {  	v1 =	vmin.f32 v5, v0;
	v9 =	vmax.f32 v5, v0;
	v5 =	vld [tilespmem:s12+$0x10]  }
0x5c: {  	v10 =	vld [tilespmem:s8+$0x10]  }
0x5d: {  	v0 =	vmin.f32 v6, v7;
	v7 =	vmax.f32 v6, v7;
	v11 =	vld [tilespmem:s12+$0x20]  }
0x5e: {  	v16 =	vld [tilespmem:s8+$0x20]  }
0x5f: {  	v17 =	vld [tilespmem:s12+$0xFFFFFFC0];
	v2 =	vmin.f32 v4, v8;
	v6 =	vmax.f32 v4, v8  }
0x60: {  	v18 =	vld [tilespmem:s19+$0xFFFFFFC0]  }
0x61: {  	v19 =	vld [tilespmem:s19+$0xFFFFFFD0];
	v4 =	vmin.f32 v5, v10;
	v8 =	vmax.f32 v5, v10  }
.Ltmp2:
0x62: {  	v15 =	vld [tilespmem:s19+$0xFFFFFFE0];
	(pc) =	sbr.rel @p1 .LBB2_4-.Ltmp2, $4  }
0x63: {  	v12 =	vld [tilespmem:s19+$0xFFFFFFF0];
	v5 =	vmin.f32 v11, v16;
	v10 =	vmax.f32 v11, v16  }
0x64: {  	v16 =	vmin.f32 v17, v13;
	v11 =	vmax.f32 v17, v13;
	v13 =	vld [tilespmem:s19+$0x0]  }
0x65: {  	v17 =	vmin.f32 v11, v18;
	v11 =	vld [tilespmem:s19+$0x10]  }
0x66: {  	s12 =	sadd.s32 $0x400, s12;
	v16 =	vmax.f32 v16, v17;
	v17 =	vmin.f32 v14, v19;
	v14 =	vld [tilespmem:s19+$0x20]  }
0x67: {  	[tilespmem:s18+$0xFFFFFFC0] =	vst v16;
	v3 =	vmax.f32 v3, v17;
	v9 =	vmin.f32 v9, v15;
	s3 =	sadd.s32 $0x1, s3  }
0x68: {  	[tilespmem:s18+$0xFFFFFFD0] =	vst v3;
	v1 =	vmax.f32 v1, v9;
	v57 =	vmin.f32 v7, v12;
	p1 =	sne.s32 s3, $0x8  }
.Ltmp3:
0x69: {  	[tilespmem:s18+$0xFFFFFFE0] =	vst v1;
	v0 =	vmax.f32 v0, v57;
	v58 =	vmin.f32 v6, v13;
	(pc) =	sbr.rel @p1 .LBB2_3-.Ltmp3, $4  }
0x6a: {  	[tilespmem:s18+$0xFFFFFFF0] =	vst v0;
	v59 =	vmax.f32 v2, v58;
	v60 =	vmin.f32 v8, v11  }
0x6b: {  	[tilespmem:s18+$0x0] =	vst v59;
	v61 =	vmax.f32 v4, v60;
	v62 =	vmin.f32 v10, v14  }
0x6c: {  	s10 =	sadd.s32 $0x80, s10;
	[tilespmem:s18+$0x10] =	vst v61;
	v63 =	vmax.f32 v5, v62  }
0x6d: {  	s17 =	sadd.s32 $0x80, s17;
	s13 =	sadd.s32 $0x80, s13;
	s9 =	sadd.s32 $0x80, s9;
	[tilespmem:s18+$0x20] =	vst v63  }
0x6e: {  	s3 =	sshll.u32 s31, $0xE  }
0x6f: {  	s3 =	sadd.s32 s7, s3  }
0x70: {  	s3 =	sshrl.u32 s3, $0x3  }
0x71: {  	p1 =	seq.s32 s31, $0x3;
	s3 =	sadd.s32 s5, s3  }
0x72: {  	[hbm4b:s3+s6] =	stream.linear.scatter [tilespmem:s24], [sflag:$0x3], $0x2000, $0x38;
	[tilespmem:$0x10000] =	vst v63  }
0x73: {  	s3 =	sadd.s32 @!p1 s0, s14  }
0x74: {  	s9 =	simm.s32 @!p1 $0x0;
	s8 =	sadd.s32 @!p1 s1, s3  }
0x75: {  	[tilespmem:s9], [sflag:$0x1] =	stream.linear.gather @!p1 [hbm4b:s8+s9], $0x2000, $0x38;
	[tilespmem:$0x10000] =	vst v63  }
0x76: {  	s10 =	simm.s32 @!p1 $0x4000;
	s8 =	sadd.s32 @!p1 s2, s3  }
0x77: {  	[tilespmem:s10], [sflag:$0x1] =	stream.linear.gather @!p1 [hbm4b:s8+s9], $0x2000, $0x38;
	[tilespmem:$0x10000] =	vst v63  }
0x78: {  	s3 =	sadd.s32 @!p1 s4, s3;
	s8 =	simm.s32 @!p1 $0x8000  }
0x79: {  	[tilespmem:s8], [sflag:$0x1] =	stream.linear.gather @!p1 [hbm4b:s3+s9], $0x2000, $0x38;
	[tilespmem:$0x10000] =	vst v63  }
0x7a: {  	_ =	swait.ge [sflag:s25], $0x2000  }
0x7b: {  	[sflag:s25] =	ssyncset.done $0x0  }
0x7c: {  	[sflag:s25] =	ssyncadd.s32 $0xFFFFE000  }
0x7d: {  	_ =	swait.ge [sflag:s25], $0x2000  }
0x7e: {  	[sflag:s25] =	ssyncset.done $0x0  }
0x7f: {  	[sflag:s25] =	ssyncadd.s32 $0xFFFFE000  }
0x80: {  	_ =	swait.ge [sflag:s25], $0x2000  }
0x81: {  	[sflag:s25] =	ssyncset.done $0x0  }
0x82: {  	s3 =	simm.s32 @!p0 $0x4;
	[sflag:s25] =	ssyncadd.s32 $0xFFFFE000  }
0x83: {  	s18 =	simm.s32 $0xE040;
	_ =	swait.ge @!p0 [sflag:s3], $0x2000  }
0x84: {  	s19 =	simm.s32 $0xA040;
	s8 =	simm.s32 $0x6040;
	[sflag:s3] =	ssyncset.done @!p0 $0x0  }
0x85: {  	s9 =	simm.s32 $0x2040;
	[sflag:s3] =	ssyncadd.s32 @!p0 $0xFFFFE000;
	s3 =	simm.s32 $0x0  }
.LBB2_7:
0x86: {  	v0 =	vld [tilespmem:s9+$0x30]  }
0x87: {  	v1 =	vld [tilespmem:s8+$0x30]  }
0x88: {  	v2 =	vld [tilespmem:s19+$0x30]  }
0x89: {  	v5 =	vld [tilespmem:s8+$0xFFFFFFC0]  }
0x8a: {  	v4 =	vld [tilespmem:s9+$0xFFFFFFD0]  }
0x8b: {  	v6 =	vld [tilespmem:s8+$0xFFFFFFD0]  }
0x8c: {  	v7 =	vld [tilespmem:s9+$0xFFFFFFE0]  }
0x8d: {  	v8 =	vld [tilespmem:s8+$0xFFFFFFE0]  }
0x8e: {  	v10 =	vld [tilespmem:s9+$0xFFFFFFF0]  }
0x8f: {  	v11 =	vld [tilespmem:s8+$0xFFFFFFF0]  }
0x90: {  	v12 =	vld [tilespmem:s9+$0x0]  }
0x91: {  	v13 =	vld [tilespmem:s8+$0x0]  }
0x92: {  	v14 =	vld [tilespmem:s9+$0x10]  }
0x93: {  	v16 =	vld [tilespmem:s8+$0x10]  }
0x94: {  	v17 =	vld [tilespmem:s9+$0x20]  }
0x95: {  	v18 =	vld [tilespmem:s8+$0x20]  }
0x96: {  	v19 =	vld [tilespmem:s9+$0xFFFFFFC0]  }
0x97: {  	v20 =	vld [tilespmem:s19+$0xFFFFFFC0];
	v3 =	vmax.f32 v0, v1;
	v0 =	vmin.f32 v0, v1;
	v22 =	vmax.f32 v4, v6  }
0x98: {  	v23 =	vld [tilespmem:s19+$0xFFFFFFD0];
	v9 =	vmax.f32 v7, v8;
	v1 =	vmin.f32 v3, v2;
	v3 =	vmin.f32 v4, v6  }
0x99: {  	v15 =	vld [tilespmem:s19+$0xFFFFFFE0];
	v2 =	vmin.f32 v12, v13;
	v6 =	vmax.f32 v12, v13;
	v4 =	vmin.f32 v14, v16  }
0x9a: {  	v12 =	vld [tilespmem:s19+$0xFFFFFFF0];
	v21 =	vmax.f32 v0, v1;
	v1 =	vmin.f32 v7, v8;
	v0 =	vmin.f32 v10, v11  }
0x9b: {  	v13 =	vld [tilespmem:s19+$0x0];
	v7 =	vmax.f32 v10, v11;
	v8 =	vmax.f32 v14, v16;
	v10 =	vmax.f32 v19, v5  }
0x9c: {  	s11 =	simm.s32 $0x0;
	s12 =	sadd.s32 $0x400, s9;
	v14 =	vmin.f32 v19, v5;
	v5 =	vmin.f32 v17, v18;
	v11 =	vld [tilespmem:s19+$0x10];
	v16 =	vmin.f32 v10, v20  }
0x9d: {  	s10 =	smov.u32 s18;
	s13 =	smov.u32 s8;
	s17 =	smov.u32 s19;
	[tilespmem:s18+$0x30] =	vst v21;
	v10 =	vmax.f32 v17, v18;
	v17 =	vmin.f32 v22, v23;
	v16 =	vmax.f32 v14, v16;
	v14 =	vld [tilespmem:s19+$0x20]  }
.LBB2_8:
0x9e: {  	v18 =	vld [tilespmem:s12+$0x30];
	[tilespmem:s10+$0xFFFFFFC0] =	vst v16;
	v3 =	vmax.f32 v3, v17;
	v9 =	vmin.f32 v9, v15;
	s13 =	sadd.s32 $0x400, s13  }
0x9f: {  	s11 =	sadd.s32 $0x80, s11;
	s17 =	sadd.s32 $0x400, s17;
	v15 =	vld [tilespmem:s13+$0x30];
	[tilespmem:s10+$0xFFFFFFD0] =	vst v3;
	v1 =	vmax.f32 v1, v9;
	v3 =	vmin.f32 v7, v12  }
0xa0: {  	p0 =	slt.u32 s11, $0x380;
	v7 =	vld [tilespmem:s17+$0x30];
	[tilespmem:s10+$0xFFFFFFE0] =	vst v1;
	v0 =	vmax.f32 v0, v3;
	v1 =	vmin.f32 v6, v13  }
0xa1: {  	v13 =	vld [tilespmem:s13+$0xFFFFFFC0];
	[tilespmem:s10+$0xFFFFFFF0] =	vst v0;
	v0 =	vmax.f32 v2, v1;
	v1 =	vmin.f32 v8, v11  }
0xa2: {  	v2 =	vld [tilespmem:s12+$0xFFFFFFD0];
	[tilespmem:s10+$0x0] =	vst v0;
	v0 =	vmax.f32 v4, v1;
	v1 =	vmin.f32 v10, v14  }
0xa3: {  	v4 =	vld [tilespmem:s13+$0xFFFFFFD0];
	[tilespmem:s10+$0x10] =	vst v0;
	v0 =	vmax.f32 v5, v1  }
0xa4: {  	v5 =	vld [tilespmem:s12+$0xFFFFFFE0];
	v1 =	vmax.f32 v18, v15;
	[tilespmem:s10+$0x20] =	vst v0  }
0xa5: {  	v3 =	vmin.f32 v18, v15;
	v0 =	vld [tilespmem:s13+$0xFFFFFFE0];
	v1 =	vmin.f32 v1, v7  }
0xa6: {  	s10 =	sadd.s32 $0x400, s10;
	v6 =	vld [tilespmem:s12+$0xFFFFFFF0];
	v1 =	vmax.f32 v3, v1  }
0xa7: {  	v7 =	vld [tilespmem:s13+$0xFFFFFFF0];
	[tilespmem:s10+$0x30] =	vst v1  }
0xa8: {  	v3 =	vmin.f32 v2, v4;
	v14 =	vmax.f32 v2, v4;
	v4 =	vld [tilespmem:s12+$0x0]  }
0xa9: {  	v8 =	vld [tilespmem:s13+$0x0]  }
0xaa: {  	v1 =	vmin.f32 v5, v0;
	v9 =	vmax.f32 v5, v0;
	v5 =	vld [tilespmem:s12+$0x10]  }
0xab: {  	v10 =	vld [tilespmem:s13+$0x10]  }
0xac: {  	v0 =	vmin.f32 v6, v7;
	v7 =	vmax.f32 v6, v7;
	v11 =	vld [tilespmem:s12+$0x20]  }
0xad: {  	v16 =	vld [tilespmem:s13+$0x20]  }
0xae: {  	v17 =	vld [tilespmem:s12+$0xFFFFFFC0];
	v2 =	vmin.f32 v4, v8;
	v6 =	vmax.f32 v4, v8  }
0xaf: {  	v18 =	vld [tilespmem:s17+$0xFFFFFFC0]  }
0xb0: {  	v19 =	vld [tilespmem:s17+$0xFFFFFFD0];
	v4 =	vmin.f32 v5, v10;
	v8 =	vmax.f32 v5, v10  }
.Ltmp4:
0xb1: {  	v15 =	vld [tilespmem:s17+$0xFFFFFFE0];
	(pc) =	sbr.rel @p0 .LBB2_8-.Ltmp4, $4  }
0xb2: {  	v12 =	vld [tilespmem:s17+$0xFFFFFFF0];
	v5 =	vmin.f32 v11, v16;
	v10 =	vmax.f32 v11, v16  }
0xb3: {  	v16 =	vmin.f32 v17, v13;
	v11 =	vmax.f32 v17, v13;
	v13 =	vld [tilespmem:s17+$0x0]  }
0xb4: {  	v17 =	vmin.f32 v11, v18;
	v11 =	vld [tilespmem:s17+$0x10]  }
0xb5: {  	s12 =	sadd.s32 $0x400, s12;
	v16 =	vmax.f32 v16, v17;
	v17 =	vmin.f32 v14, v19;
	v14 =	vld [tilespmem:s17+$0x20]  }
0xb6: {  	[tilespmem:s10+$0xFFFFFFC0] =	vst v16;
	v3 =	vmax.f32 v3, v17;
	v9 =	vmin.f32 v9, v15;
	s3 =	sadd.s32 $0x1, s3  }
0xb7: {  	[tilespmem:s10+$0xFFFFFFD0] =	vst v3;
	v1 =	vmax.f32 v1, v9;
	v57 =	vmin.f32 v7, v12;
	p0 =	sne.s32 s3, $0x8  }
.Ltmp5:
0xb8: {  	[tilespmem:s10+$0xFFFFFFE0] =	vst v1;
	v0 =	vmax.f32 v0, v57;
	v58 =	vmin.f32 v6, v13;
	(pc) =	sbr.rel @p0 .LBB2_7-.Ltmp5, $4  }
0xb9: {  	[tilespmem:s10+$0xFFFFFFF0] =	vst v0;
	v59 =	vmax.f32 v2, v58;
	v60 =	vmin.f32 v8, v11  }
0xba: {  	[tilespmem:s10+$0x0] =	vst v59;
	v61 =	vmax.f32 v4, v60;
	v62 =	vmin.f32 v10, v14  }
0xbb: {  	s18 =	sadd.s32 $0x80, s18;
	[tilespmem:s10+$0x10] =	vst v61;
	v63 =	vmax.f32 v5, v62  }
0xbc: {  	s19 =	sadd.s32 $0x80, s19;
	s8 =	sadd.s32 $0x80, s8;
	s9 =	sadd.s32 $0x80, s9;
	[tilespmem:s10+$0x20] =	vst v63  }
.Ltmp6:
0xbd: {  	(pc) =	sbr.rel @p1 .LBB2_12-.Ltmp6, $3  }
0xbe: {  	_ =	sdelay $0x1  }
0xbf: {  	s3 =	sadd.s32 s0, s15  }
0xc0: {  	[hbm4b:s3+s6] =	stream.linear.scatter [tilespmem:s26], [sflag:$0x4], $0x2000, $0x38;
	[tilespmem:$0x10000] =	vst v63  }
0xc1: {  	s0 =	sadd.s32 s0, s16  }
0xc2: {  	s3 =	sadd.s32 s1, s0  }
0xc3: {  	[tilespmem:s20], [sflag:$0x2] =	stream.linear.gather [hbm4b:s3+s6], $0x2000, $0x38;
	[tilespmem:$0x10000] =	vst v63  }
.Ltmp7:
0xc4: {  	_ = 	snop;
	(pc) =	sbr.rel .LBB2_2-.Ltmp7, $4  }
0xc5: {  	s19 =	sadd.s32 s2, s0  }
0xc6: {  	[tilespmem:s21], [sflag:$0x2] =	stream.linear.gather [hbm4b:s19+s6], $0x2000, $0x38;
	[tilespmem:$0x10000] =	vst v63  }
0xc7: {  	s31 =	sadd.s32 $0x1, s31;
	s0 =	sadd.s32 s4, s0  }
0xc8: {  	[tilespmem:s22], [sflag:$0x2] =	stream.linear.gather [hbm4b:s0+s6], $0x2000, $0x38;
	[tilespmem:$0x10000] =	vst v63  }
.LBB2_13:
0xc9: {  	_ =	sfence.sel $0x180000  }
0xca: {  	[bflag:$0x0] =	sbarrier.arrive $0xFFFF  }
0xcb: {  	_ =	strace $0x90000047  }
0xcc: {  	s0 =	stileid.u32;
	[bflag:$0x2] =	sbarrier.arrive $0xFFFF  }
0xcd: {  	p0 =	sne.s32 s0, $0x0;
	s0 =	rddreg [dreg:$0x4]  }
0xce: {  	s0 =	sadd.s32 @!p0 $0x100000, s0  }
0xcf: {  	[sflag:s0] =	ssyncadd.tile.s32 @!p0 $0x1;
	_ =	shalt  }
.Lfunc_end2:
_tile_overlayer_lowered:
.L_overlay_start_2:
0xd0: {  	(tag) =	ssettag $0x2  }
0xd1: {  	s0 =	rddreg [dreg:$0x0];
	s2 =	stileid.u32  }
0xd2: {  	s1 =	rddreg [dreg:$0x1];
	p0 =	sne.s32 s2, $0x0  }
0xd3: {  	s3 =	rddreg [dreg:$0x2];
	[bflag:$0x3] =	sbarrier.arrive $0xFFFF;
	s2 =	simm.s32 @!p0 $0x1C05  }
0xd4: {  	[timem:s3], [sflag:s2] =	dma.local @!p0 [hbm:s0], s1  }
0xd5: {  	s0 =	simm.s32 @!p0 $0x5  }
0xd6: {  	_ =	swait.ge @!p0 [sflag:s0], s1  }
0xd7: {  	s1 =	ssub.s32 @!p0 $0x0, s1;
	[sflag:s0] =	ssyncset.done @!p0 $0x0  }
0xd8: {  	[sflag:s0] =	ssyncadd.s32 @!p0 s1  }
0xd9: {  	[bflag:$0x3] =	sbarrier.arrive $0xFFFF  }
0xda: {  	_ =	shalt  }

</sc_bundles>
